<compile_context>
chip_gen: v7x
topology: tpu7x:2x2x1
jax: 0.10.2.dev20260603
libtpu: 0.0.44.dev20260713+nightly
codegen_flags: <defaults>
</compile_context>

<pallas_src>
import jax
import jax.numpy as jnp
from jax import lax
from jax.experimental import pallas as pl
from jax.experimental.pallas import tpu as pltpu
from jax.experimental.pallas import tpu_sc as plsc


def _sc_body(idx_hbm, table_hbm, w_hbm, b_hbm, out_hbm,
             idx_v, blk_v, w_v, b_v, out_v, sem, sem_w, sem_b):
    c = lax.axis_index("c")
    s = lax.axis_index("s")

    @pl.when(jnp.logical_and(c == 0, s == 0))
    def _():
        zeros = jnp.zeros((16,), jnp.float32)
        cw = pltpu.async_copy(w_hbm, w_v, sem_w)
        cbias = pltpu.async_copy(b_hbm, b_v.at[pl.ds(0, 2)], sem_b)
        pltpu.sync_copy(idx_hbm, idx_v.at[pl.ds(0, 1)])
        iota = lax.iota(jnp.int32, 16)
        m0 = iota == 0
        m1 = iota == 1
        sidx = jnp.sum(jnp.where(m0, idx_v[...], 0))
        base = pl.multiple_of((sidx >> 7) << 7, 128)
        lane = sidx & 127
        cb = pltpu.async_copy(table_hbm.at[:, pl.ds(base, 128)], blk_v, sem)
        cw.wait()
        cbias.wait()
        cb.wait()

        def bf16r(x):
            u = plsc.bitcast(x, jnp.int32)
            u = (u + 32767 + ((u >> 16) & 1)) & jnp.int32(-65536)
            return plsc.bitcast(u, jnp.float32)

        lvec = jnp.full((16,), lane, jnp.int32)
        a = bf16r(plsc.load_gather(blk_v, [iota, lvec]))
        t2_ = bf16r(plsc.load_gather(blk_v, [iota + 4, lvec]))
        tail = iota >= 12

        bv = b_v[...]
        b0 = jnp.sum(jnp.where(m0, bv, zeros))
        b1 = jnp.sum(jnp.where(m1, bv, zeros))

        w0a = bf16r(w_v[0, pl.ds(0, 16)])
        w0b = bf16r(w_v[0, pl.ds(4, 16)])
        w1a = bf16r(w_v[1, pl.ds(0, 16)])
        w1b = bf16r(w_v[1, pl.ds(4, 16)])
        l0 = jnp.sum(a * w0a) + jnp.sum(jnp.where(tail, t2_ * w0b, zeros)) + b0
        l1 = jnp.sum(a * w1a) + jnp.sum(jnp.where(tail, t2_ * w1b, zeros)) + b1

        m = jnp.maximum(l0, l1)
        v = jnp.where(m0, l0 - m, jnp.where(m1, l1 - m, -30.0))
        vc = jnp.maximum(v, -30.0)
        y = vc * 1.4426950408889634
        n = y.astype(jnp.int32)
        w = (y - n.astype(jnp.float32)) * 0.6931471805599453
        p = 1.0 + w * (1.0 + w * (0.5 + w * (1.0 / 6.0 + w * (
            1.0 / 24.0 + w * (1.0 / 120.0 + w * (1.0 / 720.0 + w * (1.0 / 5040.0)))))))
        e = plsc.bitcast((n + 127) << 23, jnp.float32) * p
        ssum = jnp.sum(e)
        sv = jnp.full((16,), ssum, jnp.float32)
        t = (sv - 1.0) / (sv + 1.0)
        t2 = t * t
        log_s = 2.0 * t * (1.0 + t2 * (1.0 / 3.0 + t2 * (0.2 + t2 * (1.0 / 7.0 + t2 * (1.0 / 9.0)))))
        out_v[...] = v - log_s
        pltpu.sync_copy(out_v.at[pl.ds(0, 2)], out_hbm)


def kernel(indices, emb_table, W, b):
    mesh = plsc.VectorSubcoreMesh(core_axis_name="c", subcore_axis_name="s",
                                  num_cores=1, num_subcores=1)
    f = pl.kernel(
        _sc_body,
        out_type=jax.ShapeDtypeStruct((2,), jnp.float32),
        mesh=mesh,
        compiler_params=pltpu.CompilerParams(
            needs_layout_passes=False, skip_device_barrier=True,
            disable_bounds_checks=True),
        scratch_types=[
            pltpu.VMEM((16,), jnp.int32),
            pltpu.VMEM((20, 128), jnp.float32),
            pltpu.VMEM((2, 20), jnp.float32),
            pltpu.VMEM((16,), jnp.float32),
            pltpu.VMEM((16,), jnp.float32),
            pltpu.SemaphoreType.DMA,
            pltpu.SemaphoreType.DMA,
            pltpu.SemaphoreType.DMA,
        ],
    )
    res = f(indices.astype(jnp.int32), emb_table.T, W, b)
    return res.reshape(1, 2)

# --- scband reference (transcript-rebuilt; emitter-appended) ---
"""Pipeline reference for scband-learner-m-15728170238459 (READ-ONLY COPY).

The authoritative reference and input builder live on the scoring server;
editing this copy changes nothing except your own understanding.
"""

import jax, jax.numpy as jnp
import numpy as np

NUM_ELEMENTS = 1000000
EMBED_DIM = 20
OUT_DIM = 2

def setup_inputs(seed: int = 0) -> dict:
    key = jax.random.key(seed)
    k1, k2, k3, k4 = jax.random.split(key, 4)
    indices = jax.random.randint(k1, (1,), 0, NUM_ELEMENTS, dtype=jnp.int64 if jax.config.jax_enable_x64 else jnp.int32)
    emb_table = jax.random.normal(k2, (NUM_ELEMENTS, EMBED_DIM), dtype=jnp.float32)
    W = jax.random.normal(k3, (OUT_DIM, EMBED_DIM), dtype=jnp.float32) * (1.0 / np.sqrt(EMBED_DIM))
    b = jax.random.normal(k4, (OUT_DIM,), dtype=jnp.float32) * 0.01
    return {"indices": indices, "emb_table": emb_table, "W": W, "b": b}

def reference(indices, emb_table, W, b):
    # nn.Embedding lookup
    embed = jnp.take(emb_table, indices, axis=0)  # [1, 20]
    embed = embed.reshape(1, -1)                  # [1, 20]
    # nn.Linear
    logits = embed @ W.T + b                      # [1, 2]
    # F.log_softmax(dim=1)
    out = jax.nn.log_softmax(logits, axis=1)
    return out

if __name__ == "__main__":
    import jax
    _d = setup_inputs()
    print(jax.jit(kernel)(*tuple(_d.values())))

</pallas_src>

<mosaic_0001>
#map = affine_map<(d0, d1) -> (0)>
#map1 = affine_map<(d0, d1) -> (0, 0)>
module attributes {stable_mosaic.version = 14 : i64} {
  func.func @_sc_body(%arg0: i32, %arg1: i32, %arg2: memref<1xi32, #tpu.memory_space<hbm>>, %arg3: memref<20x1000000xf32, #tpu.memory_space<hbm>>, %arg4: memref<2x20xf32, #tpu.memory_space<hbm>>, %arg5: memref<2xf32, #tpu.memory_space<hbm>>, %arg6: memref<2xf32, #tpu.memory_space<hbm>>, %arg7: memref<16xi32, #tpu.memory_space<vmem>>, %arg8: memref<20x128xf32, #tpu.memory_space<vmem>>, %arg9: memref<2x20xf32, #tpu.memory_space<vmem>>, %arg10: memref<16xf32, #tpu.memory_space<vmem>>, %arg11: memref<16xf32, #tpu.memory_space<vmem>>, %arg12: memref<!tpu.dma_semaphore, #tpu.memory_space<semaphore_mem>>, %arg13: memref<!tpu.dma_semaphore, #tpu.memory_space<semaphore_mem>>, %arg14: memref<!tpu.dma_semaphore, #tpu.memory_space<semaphore_mem>>) attributes {dimension_semantics = [#tpu.dimension_semantics<core_parallel>, #tpu.dimension_semantics<subcore_parallel>], iteration_bounds = array<i64: 1, 1>, scalar_prefetch = 0 : i64, scratch_operands = 8 : i64, tpu.core_type = #tpu.core_type<sc_vector_subcore>, window_params = [{transform_indices = #map}, {transform_indices = #map1}, {transform_indices = #map1}, {transform_indices = #map}, {transform_indices = #map}]} {
    %eq3A = arith.constant 0 : i32
    %eq3A_0 = arith.cmpi eq, %arg0, %eq3A : i32
    %eq3A_1 = arith.constant 0 : i32
    %eq3A_2 = arith.cmpi eq, %arg1, %eq3A_1 : i32
    %and3A = arith.andi %eq3A_0, %eq3A_2 : i1
    %convert_element_type3A = arith.extui %and3A : i1 to i32
    %cond3A = arith.constant 0 : i32
    %cond3A_3 = arith.cmpi ne, %convert_element_type3A, %cond3A : i32
    scf.if %cond3A_3 {
      %broadcast_in_dim3A = arith.constant 0.000000e+00 : f32
      %broadcast_in_dim3A_4 = vector.broadcast %broadcast_in_dim3A : f32 to vector<16xf32>
      tpu.enqueue_dma source(%arg4 : memref<2x20xf32, #tpu.memory_space<hbm>>) target(%arg9 : memref<2x20xf32, #tpu.memory_space<vmem>>) target_semaphore(%arg13 : memref<!tpu.dma_semaphore, #tpu.memory_space<semaphore_mem>>)
      %dma_start3A = arith.constant 0 : i32
      %dma_start3A_5 = tpu.memref_slice %arg10[%dma_start3A] : memref<16xf32, #tpu.memory_space<vmem>> -> memref<2xf32, #tpu.memory_space<vmem>>
      %dma_start3A_6 = arith.constant 0 : i32
      %dma_start3A_7 = tpu.memref_slice %arg10[%dma_start3A_6] : memref<16xf32, #tpu.memory_space<vmem>> -> memref<2xf32, #tpu.memory_space<vmem>>
      tpu.enqueue_dma source(%arg5 : memref<2xf32, #tpu.memory_space<hbm>>) target(%dma_start3A_7 : memref<2xf32, #tpu.memory_space<vmem>>) target_semaphore(%arg14 : memref<!tpu.dma_semaphore, #tpu.memory_space<semaphore_mem>>)
      "tpu.region"() ({
        %run_scoped3A = tpu.sem_alloc : memref<!tpu.dma_semaphore, #tpu.memory_space<semaphore_mem>>
        %dma_start3A_275 = arith.constant 0 : i32
        %dma_start3A_276 = tpu.memref_slice %arg7[%dma_start3A_275] : memref<16xi32, #tpu.memory_space<vmem>> -> memref<1xi32, #tpu.memory_space<vmem>>
        %dma_start3A_277 = arith.constant 0 : i32
        %dma_start3A_278 = tpu.memref_slice %arg7[%dma_start3A_277] : memref<16xi32, #tpu.memory_space<vmem>> -> memref<1xi32, #tpu.memory_space<vmem>>
        tpu.enqueue_dma source(%arg2 : memref<1xi32, #tpu.memory_space<hbm>>) target(%dma_start3A_278 : memref<1xi32, #tpu.memory_space<vmem>>) target_semaphore(%run_scoped3A : memref<!tpu.dma_semaphore, #tpu.memory_space<semaphore_mem>>)
        %dma_wait3A_279 = arith.constant 0 : i32
        %dma_wait3A_280 = tpu.memref_slice %arg7[%dma_wait3A_279] : memref<16xi32, #tpu.memory_space<vmem>> -> memref<1xi32, #tpu.memory_space<vmem>>
        %dma_wait3A_281 = arith.constant 0 : i32
        %dma_wait3A_282 = tpu.memref_slice %arg7[%dma_wait3A_281] : memref<16xi32, #tpu.memory_space<vmem>> -> memref<1xi32, #tpu.memory_space<vmem>>
        tpu.wait_dma2 semaphore(%run_scoped3A : memref<!tpu.dma_semaphore, #tpu.memory_space<semaphore_mem>>) src(%arg2 : memref<1xi32, #tpu.memory_space<hbm>>) dst(%dma_wait3A_282 : memref<1xi32, #tpu.memory_space<vmem>>)
        tpu.yield
      }) : () -> ()
      %iota3A = tpu.iota {dimensions = array<i32: 0>} : vector<16xi32>
      %eq3A_8 = arith.constant 0 : i32
      %eq3A_9 = vector.broadcast %eq3A_8 : i32 to vector<16xi32>
      %eq3A_10 = arith.cmpi eq, %iota3A, %eq3A_9 : vector<16xi32>
      %eq3A_11 = arith.constant 1 : i32
      %eq3A_12 = vector.broadcast %eq3A_11 : i32 to vector<16xi32>
      %eq3A_13 = arith.cmpi eq, %iota3A, %eq3A_12 : vector<16xi32>
      %get3A = arith.constant 0 : index
      %get3A_14 = tpu.vector_load %arg7[%get3A] {strides = array<i32>} : memref<16xi32, #tpu.memory_space<vmem>>, vector<16xi32>,
      %jit3A = arith.constant 0 : i32
      %broadcast_in_dim3A_15 = vector.broadcast %jit3A : i32 to vector<16xi32>
      %select_n3A = arith.select %eq3A_10, %get3A_14, %broadcast_in_dim3A_15 : vector<16xi1>, vector<16xi32>
      %reduce_sum3A = arith.constant true
      %reduce_sum3A_16 = vector.broadcast %reduce_sum3A : i1 to vector<16xi1>
      %reduce_sum3A_17 = tpu.scan <sum>, %select_n3A masked %reduce_sum3A_16 : vector<16xi32>, vector<16xi1> -> vector<16xi32>
      %reduce_sum3A_18 = vector.extract %reduce_sum3A_17[15] : i32 from vector<16xi32>
      %shift_right_arithmetic3A = arith.constant 7 : i32
      %shift_right_arithmetic3A_19 = arith.shrsi %reduce_sum3A_18, %shift_right_arithmetic3A : i32
      %shift_left3A = arith.constant 7 : i32
      %shift_left3A_20 = arith.shli %shift_right_arithmetic3A_19, %shift_left3A : i32
      %multiple_of3A = tpu.assume_multiple %shift_left3A_20, 128 : i32
      %and3A_21 = arith.constant 127 : i32
      %and3A_22 = arith.andi %reduce_sum3A_18, %and3A_21 : i32
      %dma_start3A_23 = arith.constant 0 : i32
      %dma_start3A_24 = tpu.memref_slice %arg3[%dma_start3A_23, %multiple_of3A] : memref<20x1000000xf32, #tpu.memory_space<hbm>> -> memref<20x128xf32, #tpu.memory_space<hbm>>
      %dma_start3A_25 = arith.constant 0 : i32
      %dma_start3A_26 = tpu.memref_slice %arg3[%dma_start3A_25, %multiple_of3A] : memref<20x1000000xf32, #tpu.memory_space<hbm>> -> memref<20x128xf32, #tpu.memory_space<hbm>>
      tpu.enqueue_dma source(%dma_start3A_26 : memref<20x128xf32, #tpu.memory_space<hbm>>) target(%arg8 : memref<20x128xf32, #tpu.memory_space<vmem>>) target_semaphore(%arg12 : memref<!tpu.dma_semaphore, #tpu.memory_space<semaphore_mem>>)
      tpu.wait_dma2 semaphore(%arg13 : memref<!tpu.dma_semaphore, #tpu.memory_space<semaphore_mem>>) src(%arg4 : memref<2x20xf32, #tpu.memory_space<hbm>>) dst(%arg9 : memref<2x20xf32, #tpu.memory_space<vmem>>)
      %dma_wait3A = arith.constant 0 : i32
      %dma_wait3A_27 = tpu.memref_slice %arg10[%dma_wait3A] : memref<16xf32, #tpu.memory_space<vmem>> -> memref<2xf32, #tpu.memory_space<vmem>>
      %dma_wait3A_28 = arith.constant 0 : i32
      %dma_wait3A_29 = tpu.memref_slice %arg10[%dma_wait3A_28] : memref<16xf32, #tpu.memory_space<vmem>> -> memref<2xf32, #tpu.memory_space<vmem>>
      tpu.wait_dma2 semaphore(%arg14 : memref<!tpu.dma_semaphore, #tpu.memory_space<semaphore_mem>>) src(%arg5 : memref<2xf32, #tpu.memory_space<hbm>>) dst(%dma_wait3A_29 : memref<2xf32, #tpu.memory_space<vmem>>)
      %dma_wait3A_30 = arith.constant 0 : i32
      %dma_wait3A_31 = tpu.memref_slice %arg3[%dma_wait3A_30, %multiple_of3A] : memref<20x1000000xf32, #tpu.memory_space<hbm>> -> memref<20x128xf32, #tpu.memory_space<hbm>>
      %dma_wait3A_32 = arith.constant 0 : i32
      %dma_wait3A_33 = tpu.memref_slice %arg3[%dma_wait3A_32, %multiple_of3A] : memref<20x1000000xf32, #tpu.memory_space<hbm>> -> memref<20x128xf32, #tpu.memory_space<hbm>>
      tpu.wait_dma2 semaphore(%arg12 : memref<!tpu.dma_semaphore, #tpu.memory_space<semaphore_mem>>) src(%dma_wait3A_33 : memref<20x128xf32, #tpu.memory_space<hbm>>) dst(%arg8 : memref<20x128xf32, #tpu.memory_space<vmem>>)
      %broadcast_in_dim3A_34 = vector.broadcast %and3A_22 : i32 to vector<16xi32>
      %gather3A = tpu.vector_load_idx %arg8[%iota3A, %broadcast_in_dim3A_34] : memref<20x128xf32, #tpu.memory_space<vmem>>[vector<16xi32>, vector<16xi32>], vector<16xf32>,
      %bitcast3A = vector.bitcast %gather3A : vector<16xf32> to vector<16xi32>
      %add3A = arith.constant 32767 : i32
      %add3A_35 = vector.broadcast %add3A : i32 to vector<16xi32>
      %add3A_36 = arith.addi %bitcast3A, %add3A_35 : vector<16xi32>
      %shift_right_arithmetic3A_37 = arith.constant 16 : i32
      %shift_right_arithmetic3A_38 = vector.broadcast %shift_right_arithmetic3A_37 : i32 to vector<16xi32>
      %shift_right_arithmetic3A_39 = arith.shrsi %bitcast3A, %shift_right_arithmetic3A_38 : vector<16xi32>
      %and3A_40 = arith.constant 1 : i32
      %and3A_41 = vector.broadcast %and3A_40 : i32 to vector<16xi32>
      %and3A_42 = arith.andi %shift_right_arithmetic3A_39, %and3A_41 : vector<16xi32>
      %add3A_43 = arith.addi %add3A_36, %and3A_42 : vector<16xi32>
      %and3A_44 = arith.constant -65536 : i32
      %and3A_45 = vector.broadcast %and3A_44 : i32 to vector<16xi32>
      %and3A_46 = arith.andi %add3A_43, %and3A_45 : vector<16xi32>
      %bitcast3A_47 = vector.bitcast %and3A_46 : vector<16xi32> to vector<16xf32>
      %add3A_48 = arith.constant 4 : i32
      %add3A_49 = vector.broadcast %add3A_48 : i32 to vector<16xi32>
      %add3A_50 = arith.addi %iota3A, %add3A_49 : vector<16xi32>
      %gather3A_51 = tpu.vector_load_idx %arg8[%add3A_50, %broadcast_in_dim3A_34] : memref<20x128xf32, #tpu.memory_space<vmem>>[vector<16xi32>, vector<16xi32>], vector<16xf32>,
      %bitcast3A_52 = vector.bitcast %gather3A_51 : vector<16xf32> to vector<16xi32>
      %add3A_53 = arith.constant 32767 : i32
      %add3A_54 = vector.broadcast %add3A_53 : i32 to vector<16xi32>
      %add3A_55 = arith.addi %bitcast3A_52, %add3A_54 : vector<16xi32>
      %shift_right_arithmetic3A_56 = arith.constant 16 : i32
      %shift_right_arithmetic3A_57 = vector.broadcast %shift_right_arithmetic3A_56 : i32 to vector<16xi32>
      %shift_right_arithmetic3A_58 = arith.shrsi %bitcast3A_52, %shift_right_arithmetic3A_57 : vector<16xi32>
      %and3A_59 = arith.constant 1 : i32
      %and3A_60 = vector.broadcast %and3A_59 : i32 to vector<16xi32>
      %and3A_61 = arith.andi %shift_right_arithmetic3A_58, %and3A_60 : vector<16xi32>
      %add3A_62 = arith.addi %add3A_55, %and3A_61 : vector<16xi32>
      %and3A_63 = arith.constant -65536 : i32
      %and3A_64 = vector.broadcast %and3A_63 : i32 to vector<16xi32>
      %and3A_65 = arith.andi %add3A_62, %and3A_64 : vector<16xi32>
      %bitcast3A_66 = vector.bitcast %and3A_65 : vector<16xi32> to vector<16xf32>
      %ge3A = arith.constant 12 : i32
      %ge3A_67 = vector.broadcast %ge3A : i32 to vector<16xi32>
      %ge3A_68 = arith.cmpi sge, %iota3A, %ge3A_67 : vector<16xi32>
      %get3A_69 = arith.constant 0 : index
      %get3A_70 = tpu.vector_load %arg10[%get3A_69] {strides = array<i32>} : memref<16xf32, #tpu.memory_space<vmem>>, vector<16xf32>,
      %select_n3A_71 = arith.select %eq3A_10, %get3A_70, %broadcast_in_dim3A_4 : vector<16xi1>, vector<16xf32>
      %reduce_sum3A_72 = arith.constant true
      %reduce_sum3A_73 = vector.broadcast %reduce_sum3A_72 : i1 to vector<16xi1>
      %reduce_sum3A_74 = tpu.scan <sum>, %select_n3A_71 masked %reduce_sum3A_73 : vector<16xf32>, vector<16xi1> -> vector<16xf32>
      %reduce_sum3A_75 = vector.extract %reduce_sum3A_74[15] : f32 from vector<16xf32>
      %select_n3A_76 = arith.select %eq3A_13, %get3A_70, %broadcast_in_dim3A_4 : vector<16xi1>, vector<16xf32>
      %reduce_sum3A_77 = arith.constant true
      %reduce_sum3A_78 = vector.broadcast %reduce_sum3A_77 : i1 to vector<16xi1>
      %reduce_sum3A_79 = tpu.scan <sum>, %select_n3A_76 masked %reduce_sum3A_78 : vector<16xf32>, vector<16xi1> -> vector<16xf32>
      %reduce_sum3A_80 = vector.extract %reduce_sum3A_79[15] : f32 from vector<16xf32>
      %get3A_81 = arith.constant 0 : i32
      %get3A_82 = arith.index_cast %get3A_81 : i32 to index
      %get3A_83 = arith.constant 0 : index
      %get3A_84 = tpu.vector_load %arg9[%get3A_82, %get3A_83] {strides = array<i32>} : memref<2x20xf32, #tpu.memory_space<vmem>>, vector<16xf32>,
      %bitcast3A_85 = vector.bitcast %get3A_84 : vector<16xf32> to vector<16xi32>
      %add3A_86 = arith.constant 32767 : i32
      %add3A_87 = vector.broadcast %add3A_86 : i32 to vector<16xi32>
      %add3A_88 = arith.addi %bitcast3A_85, %add3A_87 : vector<16xi32>
      %shift_right_arithmetic3A_89 = arith.constant 16 : i32
      %shift_right_arithmetic3A_90 = vector.broadcast %shift_right_arithmetic3A_89 : i32 to vector<16xi32>
      %shift_right_arithmetic3A_91 = arith.shrsi %bitcast3A_85, %shift_right_arithmetic3A_90 : vector<16xi32>
      %and3A_92 = arith.constant 1 : i32
      %and3A_93 = vector.broadcast %and3A_92 : i32 to vector<16xi32>
      %and3A_94 = arith.andi %shift_right_arithmetic3A_91, %and3A_93 : vector<16xi32>
      %add3A_95 = arith.addi %add3A_88, %and3A_94 : vector<16xi32>
      %and3A_96 = arith.constant -65536 : i32
      %and3A_97 = vector.broadcast %and3A_96 : i32 to vector<16xi32>
      %and3A_98 = arith.andi %add3A_95, %and3A_97 : vector<16xi32>
      %bitcast3A_99 = vector.bitcast %and3A_98 : vector<16xi32> to vector<16xf32>
      %get3A_100 = arith.constant 0 : i32
      %get3A_101 = arith.index_cast %get3A_100 : i32 to index
      %get3A_102 = arith.constant 4 : index
      %get3A_103 = tpu.vector_load %arg9[%get3A_101, %get3A_102] {strides = array<i32>} : memref<2x20xf32, #tpu.memory_space<vmem>>, vector<16xf32>,
      %bitcast3A_104 = vector.bitcast %get3A_103 : vector<16xf32> to vector<16xi32>
      %add3A_105 = arith.constant 32767 : i32
      %add3A_106 = vector.broadcast %add3A_105 : i32 to vector<16xi32>
      %add3A_107 = arith.addi %bitcast3A_104, %add3A_106 : vector<16xi32>
      %shift_right_arithmetic3A_108 = arith.constant 16 : i32
      %shift_right_arithmetic3A_109 = vector.broadcast %shift_right_arithmetic3A_108 : i32 to vector<16xi32>
      %shift_right_arithmetic3A_110 = arith.shrsi %bitcast3A_104, %shift_right_arithmetic3A_109 : vector<16xi32>
      %and3A_111 = arith.constant 1 : i32
      %and3A_112 = vector.broadcast %and3A_111 : i32 to vector<16xi32>
      %and3A_113 = arith.andi %shift_right_arithmetic3A_110, %and3A_112 : vector<16xi32>
      %add3A_114 = arith.addi %add3A_107, %and3A_113 : vector<16xi32>
      %and3A_115 = arith.constant -65536 : i32
      %and3A_116 = vector.broadcast %and3A_115 : i32 to vector<16xi32>
      %and3A_117 = arith.andi %add3A_114, %and3A_116 : vector<16xi32>
      %bitcast3A_118 = vector.bitcast %and3A_117 : vector<16xi32> to vector<16xf32>
      %get3A_119 = arith.constant 1 : i32
      %get3A_120 = arith.index_cast %get3A_119 : i32 to index
      %get3A_121 = arith.constant 0 : index
      %get3A_122 = tpu.vector_load %arg9[%get3A_120, %get3A_121] {strides = array<i32>} : memref<2x20xf32, #tpu.memory_space<vmem>>, vector<16xf32>,
      %bitcast3A_123 = vector.bitcast %get3A_122 : vector<16xf32> to vector<16xi32>
      %add3A_124 = arith.constant 32767 : i32
      %add3A_125 = vector.broadcast %add3A_124 : i32 to vector<16xi32>
      %add3A_126 = arith.addi %bitcast3A_123, %add3A_125 : vector<16xi32>
      %shift_right_arithmetic3A_127 = arith.constant 16 : i32
      %shift_right_arithmetic3A_128 = vector.broadcast %shift_right_arithmetic3A_127 : i32 to vector<16xi32>
      %shift_right_arithmetic3A_129 = arith.shrsi %bitcast3A_123, %shift_right_arithmetic3A_128 : vector<16xi32>
      %and3A_130 = arith.constant 1 : i32
      %and3A_131 = vector.broadcast %and3A_130 : i32 to vector<16xi32>
      %and3A_132 = arith.andi %shift_right_arithmetic3A_129, %and3A_131 : vector<16xi32>
      %add3A_133 = arith.addi %add3A_126, %and3A_132 : vector<16xi32>
      %and3A_134 = arith.constant -65536 : i32
      %and3A_135 = vector.broadcast %and3A_134 : i32 to vector<16xi32>
      %and3A_136 = arith.andi %add3A_133, %and3A_135 : vector<16xi32>
      %bitcast3A_137 = vector.bitcast %and3A_136 : vector<16xi32> to vector<16xf32>
      %get3A_138 = arith.constant 1 : i32
      %get3A_139 = arith.index_cast %get3A_138 : i32 to index
      %get3A_140 = arith.constant 4 : index
      %get3A_141 = tpu.vector_load %arg9[%get3A_139, %get3A_140] {strides = array<i32>} : memref<2x20xf32, #tpu.memory_space<vmem>>, vector<16xf32>,
      %bitcast3A_142 = vector.bitcast %get3A_141 : vector<16xf32> to vector<16xi32>
      %add3A_143 = arith.constant 32767 : i32
      %add3A_144 = vector.broadcast %add3A_143 : i32 to vector<16xi32>
      %add3A_145 = arith.addi %bitcast3A_142, %add3A_144 : vector<16xi32>
      %shift_right_arithmetic3A_146 = arith.constant 16 : i32
      %shift_right_arithmetic3A_147 = vector.broadcast %shift_right_arithmetic3A_146 : i32 to vector<16xi32>
      %shift_right_arithmetic3A_148 = arith.shrsi %bitcast3A_142, %shift_right_arithmetic3A_147 : vector<16xi32>
      %and3A_149 = arith.constant 1 : i32
      %and3A_150 = vector.broadcast %and3A_149 : i32 to vector<16xi32>
      %and3A_151 = arith.andi %shift_right_arithmetic3A_148, %and3A_150 : vector<16xi32>
      %add3A_152 = arith.addi %add3A_145, %and3A_151 : vector<16xi32>
      %and3A_153 = arith.constant -65536 : i32
      %and3A_154 = vector.broadcast %and3A_153 : i32 to vector<16xi32>
      %and3A_155 = arith.andi %add3A_152, %and3A_154 : vector<16xi32>
      %bitcast3A_156 = vector.bitcast %and3A_155 : vector<16xi32> to vector<16xf32>
      %mul3A = arith.mulf %bitcast3A_47, %bitcast3A_99 : vector<16xf32>
      %reduce_sum3A_157 = arith.constant true
      %reduce_sum3A_158 = vector.broadcast %reduce_sum3A_157 : i1 to vector<16xi1>
      %reduce_sum3A_159 = tpu.scan <sum>, %mul3A masked %reduce_sum3A_158 : vector<16xf32>, vector<16xi1> -> vector<16xf32>
      %reduce_sum3A_160 = vector.extract %reduce_sum3A_159[15] : f32 from vector<16xf32>
      %mul3A_161 = arith.mulf %bitcast3A_66, %bitcast3A_118 : vector<16xf32>
      %select_n3A_162 = arith.select %ge3A_68, %mul3A_161, %broadcast_in_dim3A_4 : vector<16xi1>, vector<16xf32>
      %reduce_sum3A_163 = arith.constant true
      %reduce_sum3A_164 = vector.broadcast %reduce_sum3A_163 : i1 to vector<16xi1>
      %reduce_sum3A_165 = tpu.scan <sum>, %select_n3A_162 masked %reduce_sum3A_164 : vector<16xf32>, vector<16xi1> -> vector<16xf32>
      %reduce_sum3A_166 = vector.extract %reduce_sum3A_165[15] : f32 from vector<16xf32>
      %add3A_167 = arith.addf %reduce_sum3A_160, %reduce_sum3A_166 : f32
      %add3A_168 = arith.addf %add3A_167, %reduce_sum3A_75 : f32
      %mul3A_169 = arith.mulf %bitcast3A_47, %bitcast3A_137 : vector<16xf32>
      %reduce_sum3A_170 = arith.constant true
      %reduce_sum3A_171 = vector.broadcast %reduce_sum3A_170 : i1 to vector<16xi1>
      %reduce_sum3A_172 = tpu.scan <sum>, %mul3A_169 masked %reduce_sum3A_171 : vector<16xf32>, vector<16xi1> -> vector<16xf32>
      %reduce_sum3A_173 = vector.extract %reduce_sum3A_172[15] : f32 from vector<16xf32>
      %mul3A_174 = arith.mulf %bitcast3A_66, %bitcast3A_156 : vector<16xf32>
      %select_n3A_175 = arith.select %ge3A_68, %mul3A_174, %broadcast_in_dim3A_4 : vector<16xi1>, vector<16xf32>
      %reduce_sum3A_176 = arith.constant true
      %reduce_sum3A_177 = vector.broadcast %reduce_sum3A_176 : i1 to vector<16xi1>
      %reduce_sum3A_178 = tpu.scan <sum>, %select_n3A_175 masked %reduce_sum3A_177 : vector<16xf32>, vector<16xi1> -> vector<16xf32>
      %reduce_sum3A_179 = vector.extract %reduce_sum3A_178[15] : f32 from vector<16xf32>
      %add3A_180 = arith.addf %reduce_sum3A_173, %reduce_sum3A_179 : f32
      %add3A_181 = arith.addf %add3A_180, %reduce_sum3A_80 : f32
      %max3A = arith.maximumf %add3A_168, %add3A_181 : f32
      %sub3A = arith.subf %add3A_168, %max3A : f32
      %sub3A_182 = arith.subf %add3A_181, %max3A : f32
      %jit3A_183 = arith.constant -3.000000e+01 : f32
      %broadcast_in_dim3A_184 = vector.broadcast %sub3A_182 : f32 to vector<16xf32>
      %broadcast_in_dim3A_185 = vector.broadcast %jit3A_183 : f32 to vector<16xf32>
      %select_n3A_186 = arith.select %eq3A_13, %broadcast_in_dim3A_184, %broadcast_in_dim3A_185 : vector<16xi1>, vector<16xf32>
      %broadcast_in_dim3A_187 = vector.broadcast %sub3A : f32 to vector<16xf32>
      %select_n3A_188 = arith.select %eq3A_10, %broadcast_in_dim3A_187, %select_n3A_186 : vector<16xi1>, vector<16xf32>
      %max3A_189 = arith.constant -3.000000e+01 : f32
      %max3A_190 = vector.broadcast %max3A_189 : f32 to vector<16xf32>
      %max3A_191 = arith.maximumf %select_n3A_188, %max3A_190 : vector<16xf32>
      %mul3A_192 = arith.constant 1.44269502 : f32
      %mul3A_193 = vector.broadcast %mul3A_192 : f32 to vector<16xf32>
      %mul3A_194 = arith.mulf %max3A_191, %mul3A_193 : vector<16xf32>
      %convert_element_type3A_195 = arith.fptosi %mul3A_194 : vector<16xf32> to vector<16xi32>
      %convert_element_type3A_196 = arith.sitofp %convert_element_type3A_195 : vector<16xi32> to vector<16xf32>
      %sub3A_197 = arith.subf %mul3A_194, %convert_element_type3A_196 : vector<16xf32>
      %mul3A_198 = arith.constant 0.693147182 : f32
      %mul3A_199 = vector.broadcast %mul3A_198 : f32 to vector<16xf32>
      %mul3A_200 = arith.mulf %sub3A_197, %mul3A_199 : vector<16xf32>
      %mul3A_201 = arith.constant 1.98412701E-4 : f32
      %mul3A_202 = vector.broadcast %mul3A_201 : f32 to vector<16xf32>
      %mul3A_203 = arith.mulf %mul3A_200, %mul3A_202 : vector<16xf32>
      %add3A_204 = arith.constant 0.00138888892 : f32
      %add3A_205 = vector.broadcast %add3A_204 : f32 to vector<16xf32>
      %add3A_206 = arith.addf %add3A_205, %mul3A_203 : vector<16xf32>
      %mul3A_207 = arith.mulf %mul3A_200, %add3A_206 : vector<16xf32>
      %add3A_208 = arith.constant 0.00833333377 : f32
      %add3A_209 = vector.broadcast %add3A_208 : f32 to vector<16xf32>
      %add3A_210 = arith.addf %add3A_209, %mul3A_207 : vector<16xf32>
      %mul3A_211 = arith.mulf %mul3A_200, %add3A_210 : vector<16xf32>
      %add3A_212 = arith.constant 0.0416666679 : f32
      %add3A_213 = vector.broadcast %add3A_212 : f32 to vector<16xf32>
      %add3A_214 = arith.addf %add3A_213, %mul3A_211 : vector<16xf32>
      %mul3A_215 = arith.mulf %mul3A_200, %add3A_214 : vector<16xf32>
      %add3A_216 = arith.constant 0.166666672 : f32
      %add3A_217 = vector.broadcast %add3A_216 : f32 to vector<16xf32>
      %add3A_218 = arith.addf %add3A_217, %mul3A_215 : vector<16xf32>
      %mul3A_219 = arith.mulf %mul3A_200, %add3A_218 : vector<16xf32>
      %add3A_220 = arith.constant 5.000000e-01 : f32
      %add3A_221 = vector.broadcast %add3A_220 : f32 to vector<16xf32>
      %add3A_222 = arith.addf %add3A_221, %mul3A_219 : vector<16xf32>
      %mul3A_223 = arith.mulf %mul3A_200, %add3A_222 : vector<16xf32>
      %add3A_224 = arith.constant 1.000000e+00 : f32
      %add3A_225 = vector.broadcast %add3A_224 : f32 to vector<16xf32>
      %add3A_226 = arith.addf %add3A_225, %mul3A_223 : vector<16xf32>
      %mul3A_227 = arith.mulf %mul3A_200, %add3A_226 : vector<16xf32>
      %add3A_228 = arith.constant 1.000000e+00 : f32
      %add3A_229 = vector.broadcast %add3A_228 : f32 to vector<16xf32>
      %add3A_230 = arith.addf %add3A_229, %mul3A_227 : vector<16xf32>
      %add3A_231 = arith.constant 127 : i32
      %add3A_232 = vector.broadcast %add3A_231 : i32 to vector<16xi32>
      %add3A_233 = arith.addi %convert_element_type3A_195, %add3A_232 : vector<16xi32>
      %shift_left3A_234 = arith.constant 23 : i32
      %shift_left3A_235 = vector.broadcast %shift_left3A_234 : i32 to vector<16xi32>
      %shift_left3A_236 = arith.shli %add3A_233, %shift_left3A_235 : vector<16xi32>
      %bitcast3A_237 = vector.bitcast %shift_left3A_236 : vector<16xi32> to vector<16xf32>
      %mul3A_238 = arith.mulf %bitcast3A_237, %add3A_230 : vector<16xf32>
      %reduce_sum3A_239 = arith.constant true
      %reduce_sum3A_240 = vector.broadcast %reduce_sum3A_239 : i1 to vector<16xi1>
      %reduce_sum3A_241 = tpu.scan <sum>, %mul3A_238 masked %reduce_sum3A_240 : vector<16xf32>, vector<16xi1> -> vector<16xf32>
      %reduce_sum3A_242 = vector.extract %reduce_sum3A_241[15] : f32 from vector<16xf32>
      %broadcast_in_dim3A_243 = vector.broadcast %reduce_sum3A_242 : f32 to vector<16xf32>
      %sub3A_244 = arith.constant 1.000000e+00 : f32
      %sub3A_245 = vector.broadcast %sub3A_244 : f32 to vector<16xf32>
      %sub3A_246 = arith.subf %broadcast_in_dim3A_243, %sub3A_245 : vector<16xf32>
      %add3A_247 = arith.constant 1.000000e+00 : f32
      %add3A_248 = vector.broadcast %add3A_247 : f32 to vector<16xf32>
      %add3A_249 = arith.addf %broadcast_in_dim3A_243, %add3A_248 : vector<16xf32>
      %div3A = arith.divf %sub3A_246, %add3A_249 : vector<16xf32>
      %mul3A_250 = arith.mulf %div3A, %div3A : vector<16xf32>
      %mul3A_251 = arith.constant 2.000000e+00 : f32
      %mul3A_252 = vector.broadcast %mul3A_251 : f32 to vector<16xf32>
      %mul3A_253 = arith.mulf %mul3A_252, %div3A : vector<16xf32>
      %mul3A_254 = arith.constant 0.111111112 : f32
      %mul3A_255 = vector.broadcast %mul3A_254 : f32 to vector<16xf32>
      %mul3A_256 = arith.mulf %mul3A_250, %mul3A_255 : vector<16xf32>
      %add3A_257 = arith.constant 0.142857149 : f32
      %add3A_258 = vector.broadcast %add3A_257 : f32 to vector<16xf32>
      %add3A_259 = arith.addf %add3A_258, %mul3A_256 : vector<16xf32>
      %mul3A_260 = arith.mulf %mul3A_250, %add3A_259 : vector<16xf32>
      %add3A_261 = arith.constant 2.000000e-01 : f32
      %add3A_262 = vector.broadcast %add3A_261 : f32 to vector<16xf32>
      %add3A_263 = arith.addf %add3A_262, %mul3A_260 : vector<16xf32>
      %mul3A_264 = arith.mulf %mul3A_250, %add3A_263 : vector<16xf32>
      %add3A_265 = arith.constant 0.333333343 : f32
      %add3A_266 = vector.broadcast %add3A_265 : f32 to vector<16xf32>
      %add3A_267 = arith.addf %add3A_266, %mul3A_264 : vector<16xf32>
      %mul3A_268 = arith.mulf %mul3A_250, %add3A_267 : vector<16xf32>
      %add3A_269 = arith.constant 1.000000e+00 : f32
      %add3A_270 = vector.broadcast %add3A_269 : f32 to vector<16xf32>
      %add3A_271 = arith.addf %add3A_270, %mul3A_268 : vector<16xf32>
      %mul3A_272 = arith.mulf %mul3A_253, %add3A_271 : vector<16xf32>
      %sub3A_273 = arith.subf %select_n3A_188, %mul3A_272 : vector<16xf32>
      %swap3A = arith.constant 0 : index
      %swap3A_274 = tpu.vector_load %arg11[%swap3A] {strides = array<i32>} : memref<16xf32, #tpu.memory_space<vmem>>, vector<16xf32>,
      tpu.vector_store %arg11[%swap3A], %sub3A_273 {strides = array<i32>} : memref<16xf32, #tpu.memory_space<vmem>>, vector<16xf32>,
      "tpu.region"() ({
        %run_scoped3A = tpu.sem_alloc : memref<!tpu.dma_semaphore, #tpu.memory_space<semaphore_mem>>
        %dma_start3A_275 = arith.constant 0 : i32
        %dma_start3A_276 = tpu.memref_slice %arg11[%dma_start3A_275] : memref<16xf32, #tpu.memory_space<vmem>> -> memref<2xf32, #tpu.memory_space<vmem>>
        %dma_start3A_277 = arith.constant 0 : i32
        %dma_start3A_278 = tpu.memref_slice %arg11[%dma_start3A_277] : memref<16xf32, #tpu.memory_space<vmem>> -> memref<2xf32, #tpu.memory_space<vmem>>
        tpu.enqueue_dma source(%dma_start3A_278 : memref<2xf32, #tpu.memory_space<vmem>>) target(%arg6 : memref<2xf32, #tpu.memory_space<hbm>>) target_semaphore(%run_scoped3A : memref<!tpu.dma_semaphore, #tpu.memory_space<semaphore_mem>>)
        %dma_wait3A_279 = arith.constant 0 : i32
        %dma_wait3A_280 = tpu.memref_slice %arg11[%dma_wait3A_279] : memref<16xf32, #tpu.memory_space<vmem>> -> memref<2xf32, #tpu.memory_space<vmem>>
        %dma_wait3A_281 = arith.constant 0 : i32
        %dma_wait3A_282 = tpu.memref_slice %arg11[%dma_wait3A_281] : memref<16xf32, #tpu.memory_space<vmem>> -> memref<2xf32, #tpu.memory_space<vmem>>
        tpu.wait_dma2 semaphore(%run_scoped3A : memref<!tpu.dma_semaphore, #tpu.memory_space<semaphore_mem>>) src(%dma_wait3A_282 : memref<2xf32, #tpu.memory_space<vmem>>) dst(%arg6 : memref<2xf32, #tpu.memory_space<hbm>>)
        tpu.yield
      }) : () -> ()
    } else {
    }
    return
  }
}

</mosaic_0001>

<sc_bundles>
// kernel: kernel.3.cloned.1.call-start
scs
__scs_entry_jumppad:
0x0: {  	(pc) =	sbr.rel $0x88, $3  }
0x1: {  	(tag) =	ssettag $0x0;
	lr =	simm.s32 $0x1  }
0x2: {  	[smem:$0x3F9D] =	sst lr;
	_ =	strace $0xD0000000  }
0x3: {  	_ = 	snop  }
0x4: {  	_ = 	snop  }
0x5: {  	_ = 	snop  }
0x6: {  	_ = 	snop  }
0x7: {  	_ = 	snop  }
__scs_overlays_trampoline_lowered:
0x8: {  	[smem:$0x3FAC] =	sst s0  }
0x9: {  	[smem:$0x3FAD] =	sst s1  }
0xa: {  	[smem:$0x3FAE] =	sst s2  }
0xb: {  	[smem:$0x3FAF] =	sst s3  }
0xc: {  	[smem:$0x3FB0] =	sst s4  }
0xd: {  	[smem:$0x3FB1] =	sst s5  }
0xe: {  	[smem:$0x3FB2] =	sst s6  }
0xf: {  	[smem:$0x3FB3] =	sst s7  }
0x10: {  	[smem:$0x3FB4] =	sst s8  }
0x11: {  	[smem:$0x3FB5] =	sst s9;
	s0 =	simm.s32 @!p0 $0x0  }
0x12: {  	s1 =	sld [smem:$0x3F9B];
	s0 =	simm.s32 @p0 $0x1  }
0x13: {  	[smem:$0x3FB6] =	sst s0;
	s0 =	simm.s32 @!p1 $0x0  }
0x14: {  	s2 =	sld [smem:$0x3F9A];
	s0 =	simm.s32 @p1 $0x1  }
0x15: {  	[smem:$0x3FB7] =	sst s0;
	s0 =	simm.s32 @!p2 $0x0  }
0x16: {  	s3 =	sld [smem:$0x3FDB];
	s0 =	simm.s32 @p2 $0x1  }
0x17: {  	s4 =	simm.s32 $0x1BF5;
	[smem:$0x3FB9] =	sst s0  }
0x18: {  	s0 =	sld [smem:$0x3F9C];
	_ =	swait.ge [sflag:s4], $0x0  }
0x19: {  	s7 =	sld [smem:$0x3F9D]  }
0x1a: {  	s8 =	sadd.s32 $0xFFFFE003, lr  }
0x1b: {  	s9 =	sadd.s32 $0xFFFFFEF7, lr;
	s5 =	simm.s32 $0xFFFFFFFF;
	p2 =	slt.u32 s8, $0xFFFFF086  }
0x1c: {  	p1 =	slt.u32 s9, $0xF7A;
	s5 =	simm.s32 @!p2 $0x0  }
0x1d: {  	s5 =	simm.s32 @p1 $0x1;
	p0 =	seq.s32 s7, s2  }
0x1e: {  	s7 =	smul.u32 @!p0 $0xF7A, s2;
	p2 =	seq.s32 @!p0 s5, $0x0  }
0x1f: {  	s9 =	smul.u32 $0xF7A, s1;
	s8 =	simm.s32 @!p0 $0x1BF5;
	p2 =	por !p2, p0  }
0x20: {  	[sflag:s8] =	ssyncset.s32 @!p0 $0xFFFFF086;
	s6 =	sadd.s32 @!p0 s3, s7;
	s7 =	simm.s32 @!p0 $0x108  }
0x21: {  	s3 =	sadd.s32 s3, s9;
	s6 =	sadd.s32 @!p0 $0x88, s6;
	s7 =	simm.s32 @p2 $0x1082  }
0x22: {  	[simem:s7], [sflag:s8] =	dma.local @!p0 [hbm:s6], $0xF7A  }
0x23: {  	s9 =	sor.u32 $0xD0000000, s2;
	s6 =	simm.s32 $0x108;
	_ =	swait.ge @!p0 [sflag:s8], $0x0  }
0x24: {  	s3 =	sadd.s32 $0x88, s3;
	s6 =	simm.s32 @!p1 $0x1082;
	[sflag:s4] =	ssyncset.s32 $0xFFFFF086  }
0x25: {  	[simem:s6], [sflag:s4] =	dma.local [hbm:s3], $0xF7A  }
0x26: {  	[smem:$0x3F9D] =	sst s1;
	(tag) =	ssettag s2;
	_ =	strace s9  }
0x27: {  	s1 =	sld [smem:$0x3FAD]  }
0x28: {  	s2 =	sld [smem:$0x3FAE]  }
0x29: {  	s4 =	sld [smem:$0x3FB0]  }
0x2a: {  	p0 =	seq.s32 s5, $0x0;
	s5 =	sld [smem:$0x3FB1]  }
0x2b: {  	s6 =	sld [smem:$0x3FB2]  }
0x2c: {  	s7 =	sld [smem:$0x3FB3]  }
0x2d: {  	s3 =	simm.s32 $0x108;
	s8 =	sld [smem:$0x3FB4]  }
0x2e: {  	s3 =	simm.s32 @!p0 $0x1082;
	s9 =	sld [smem:$0x3FB5]  }
0x2f: {  	lr =	sadd.s32 s0, s3;
	s0 =	sld [smem:$0x3FAC]  }
0x30: {  	s3 =	sld [smem:$0x3FAF]  }
0x31: {  	[smem:$0x3FB8] =	sst s10  }
0x32: {  	s10 =	sld [smem:$0x3FB6];
	_ =	sdelay $0x3  }
0x33: {  	p0 =	seq.s32 s10, $0x1;
	s10 =	sld [smem:$0x3FB8];
	_ =	sdelay $0x3  }
0x34: {  	[smem:$0x3FB8] =	sst s10  }
0x35: {  	s10 =	sld [smem:$0x3FB7];
	_ =	sdelay $0x3  }
0x36: {  	p1 =	seq.s32 s10, $0x1;
	s10 =	sld [smem:$0x3FB8];
	_ =	sdelay $0x3  }
0x37: {  	[smem:$0x3FB8] =	sst s10  }
0x38: {  	s10 =	sld [smem:$0x3FB9]  }
0x39: {  	_ = 	snop;
	(pc) =	sbr.ind lr, $3  }
0x3a: {  	_ = 	snop  }
0x3b: {  	_ = 	snop  }
0x3c: {  	p2 =	seq.s32 s10, $0x1;
	s10 =	sld [smem:$0x3FB8]  }
0x3d: {  	_ =	shalt  }
0x3e: {  	_ =	shalt  }
0x3f: {  	_ =	shalt  }
0x40: {  	_ =	shalt  }
0x41: {  	_ =	shalt  }
0x42: {  	_ =	shalt  }
0x43: {  	_ =	shalt  }
0x44: {  	_ =	shalt  }
0x45: {  	_ =	shalt  }
0x46: {  	_ =	shalt  }
0x47: {  	_ =	shalt  }
0x48: {  	_ =	shalt  }
0x49: {  	_ =	shalt  }
0x4a: {  	_ =	shalt  }
0x4b: {  	_ =	shalt  }
0x4c: {  	_ =	shalt  }
0x4d: {  	_ =	shalt  }
0x4e: {  	_ =	shalt  }
0x4f: {  	_ =	shalt  }
0x50: {  	_ =	shalt  }
0x51: {  	_ =	shalt  }
0x52: {  	_ =	shalt  }
0x53: {  	_ =	shalt  }
0x54: {  	_ =	shalt  }
0x55: {  	_ =	shalt  }
0x56: {  	_ =	shalt  }
0x57: {  	_ =	shalt  }
0x58: {  	_ =	shalt  }
0x59: {  	_ =	shalt  }
0x5a: {  	_ =	shalt  }
0x5b: {  	_ =	shalt  }
0x5c: {  	_ =	shalt  }
0x5d: {  	_ =	shalt  }
0x5e: {  	_ =	shalt  }
0x5f: {  	_ =	shalt  }
0x60: {  	_ =	shalt  }
0x61: {  	_ =	shalt  }
0x62: {  	_ =	shalt  }
0x63: {  	_ =	shalt  }
0x64: {  	_ =	shalt  }
0x65: {  	_ =	shalt  }
0x66: {  	_ =	shalt  }
0x67: {  	_ =	shalt  }
0x68: {  	_ =	shalt  }
0x69: {  	_ =	shalt  }
0x6a: {  	_ =	shalt  }
0x6b: {  	_ =	shalt  }
0x6c: {  	_ =	shalt  }
0x6d: {  	_ =	shalt  }
0x6e: {  	_ =	shalt  }
0x6f: {  	_ =	shalt  }
0x70: {  	_ =	shalt  }
0x71: {  	_ =	shalt  }
0x72: {  	_ =	shalt  }
0x73: {  	_ =	shalt  }
0x74: {  	_ =	shalt  }
0x75: {  	_ =	shalt  }
0x76: {  	_ =	shalt  }
0x77: {  	_ =	shalt  }
0x78: {  	_ =	shalt  }
0x79: {  	_ =	shalt  }
0x7a: {  	_ =	shalt  }
0x7b: {  	_ =	shalt  }
0x7c: {  	_ =	shalt  }
0x7d: {  	_ =	shalt  }
0x7e: {  	_ =	shalt  }
0x7f: {  	_ =	shalt  }
0x80: {  	_ =	shalt  }
0x81: {  	_ =	shalt  }
0x82: {  	_ =	shalt  }
0x83: {  	_ =	shalt  }
0x84: {  	_ =	shalt  }
0x85: {  	_ =	shalt  }
0x86: {  	_ =	shalt  }
0x87: {  	_ =	shalt  }
.Lfunc_end0:
.L_simem_size_0:
called_computation_lowered:
.L_overlay_start_0:
0x88: {  	s0 =	sld [smem:$0x3FD9]  }
0x89: {  	s1 =	sld [smem:$0x3FFE];
	_ =	sdelay $0x3  }
0x8a: {  	s0 =	sadd.s32 s1, s0  }
0x8b: {  	[smem:$0x3FC4] =	sst s0  }
0x8c: {  	_ = 	snop  }
0x8d: {  	s0 =	sld [smem:$0x3FC9]  }
0x8e: {  	s17 =	sld [smem:$0x3FC8]  }
0x8f: {  	s2 =	sld [smem:$0x3FC7]  }
0x90: {  	s3 =	sld [smem:$0x3FC6]  }
0x91: {  	s4 =	sld [smem:$0x3FD0];
	(tm) =	ssettm $0x1  }
0x92: {  	s5 =	sld [smem:$0x3FFB];
	_ =	sdelay $0x3  }
0x93: {  	_ =	strace s5  }
0x94: {  	s5 =	sld [smem:$0x3FFC];
	_ =	sdelay $0x3  }
0x95: {  	_ =	strace s5  }
0x96: {  	s5 =	sld [smem:$0x3FFD];
	_ =	sdelay $0x3  }
0x97: {  	_ =	strace s5  }
0x98: {  	_ =	strace $0x8FFFFFFF  }
0x99: {  	s18 =	sld [smem:$0x3FDB];
	_ =	sdelay $0x1  }
0x9a: {  	s6 =	simm.s32 $_scs_section_size  }
0x9b: {  	s7 =	simm.s32 $_size__tile_overlayer_lowered;
	s8 =	simm.s32 $_tile_overlayer_lowered  }
0x9c: {  	s21 =	simm.s32 $0x1BFF;
	s20 =	sshll.u32 s8, $0x1;
	s5 =	sadd.s32 s6, s18  }
0x9d: {  	s9 =	simm.s32 $0x0;
	s19 =	sshll.u32 s7, $0x1;
	s7 =	sadd.s32 s20, s5  }
0x9e: {  	[timem:s9], [sflag:s21] =	dma.local [hbm:s7], s19  }
0x9f: {  	_ =	swait.ge [sflag:s21], s19  }
0xa0: {  	s6 =	ssub.s32 $0x0, s19;
	[sflag:s21] =	ssyncset.done $0x0  }
0xa1: {  	[sflag:s21] =	ssyncadd.s32 s6;
	_ =	sdelay $0x1  }
0xa2: {  	s22 =	simm.s32 $0x1B8B  }
0xa3: {  	_ =	swait.ge [sflag:s22], $0x1  }
0xa4: {  	[sflag:s22] =	ssyncset.done $0x0  }
0xa5: {  	s23 =	simm.s32 $0x1B8E;
	[sflag:s22] =	ssyncadd.s32 $0xFFFFFFFF  }
0xa6: {  	s24 =	simm.s32 $execute0_lowered;
	[smem:$0x3FD2] =	sst s23  }
0xa7: {  	s6 =	sshll.u32 s24, $0x1;
	_ =	strace $0x80000046;
	[dreg:$0x1] =	wrdreg $0xFFFFFFFF  }
0xa8: {  	s25 =	simm.s32 $_size_execute0_lowered;
	s5 =	sadd.s32 s5, s6;
	[dreg:$0x0] =	wrdreg $0x0  }
0xa9: {  	s6 =	sshll.u32 s25, $0x1;
	[dreg:$0x2] =	wrdreg s5  }
0xaa: {  	[dreg:$0x3] =	wrdreg s6  }
0xab: {  	[dreg:$0x4] =	wrdreg $0xC0  }
0xac: {  	_ =	task [dreg:s9], $0x5FFFF  }
0xad: {  	[dreg:$0x1] =	wrdreg $0xFFFFFFFF  }
0xae: {  	[dreg:$0x0] =	wrdreg $0x60  }
0xaf: {  	[dreg:$0x2] =	wrdreg s0  }
0xb0: {  	[dreg:$0x3] =	wrdreg s17  }
0xb1: {  	[dreg:$0x4] =	wrdreg s2  }
0xb2: {  	[dreg:$0x5] =	wrdreg s3  }
0xb3: {  	[dreg:$0x6] =	wrdreg s4  }
0xb4: {  	[dreg:$0x7] =	wrdreg $0x9  }
0xb5: {  	_ =	task.clear_ibuf [dreg:s9], $0x8FFFF;
	_ =	strace $0x90000046  }
0xb6: {  	s26 =	simm.s32 $0x9;
	_ =	strace $0x80000048  }
0xb7: {  	_ =	swait.ge [sflag:s26], $0x1  }
0xb8: {  	[sflag:s26] =	ssyncadd.s32 $0xFFFFFFFF  }
0xb9: {  	_ =	strace $0x90000048  }
0xba: {  	_ =	sfence  }
0xbb: {  	s28 =	sld [smem:$0x0];
	_ =	sdelay $0x1  }
0xbc: {  	s29 =	srdreg.scid  }
0xbd: {  	s30 =	sshll.u32 s29, $0xD;
	s31 =	sshrl.u32 s29, $0x2  }
0xbe: {  	s1 =	sand.u32 $0x1, s29;
	s2 =	sand.u32 $0x4000, s30;
	s0 =	sadd.s32 s31, s28  }
0xbf: {  	s1 =	sor.u32 s2, s1;
	s0 =	sshll.u32 s0, $0x11  }
0xc0: {  	s0 =	sor.u32 s0, s1  }
0xc1: {  	s0 =	sadd.s32 $0x8F2B, s0  }
0xc2: {  	[sflag:s0] =	ssyncadd.remote.s32 $0x1  }
0xc3: {  	_ =	sfence.sel $0xFFFF  }
0xc4: {  	[dreg:$0x0] =	wrdreg $0xFFFFFFFF;
	(pc) =	sbr.abs _section_cstart, $3  }
0xc5: {  	[dreg:$0x1] =	wrdreg $0xFFFFFFFF  }
0xc6: {  	_ =	task.clear_ibuf [dreg:s9], $0x2FFFF;
	_ =	strace $0x9FFFFFFF  }
0xc7: {  	(tm) =	ssettm $0x7FFFFFFF  }
tec
execute0_lowered:
.L_overlay_start_1:
0x0: {  	(tag) =	ssettag $0x1  }
0x1: {  	s3 =	rddreg [dreg:$0x0];
	s7 =	stileid.u32  }
0x2: {  	s4 =	rddreg [dreg:$0x1];
	p0 =	sne.s32 s7, $0x0  }
.Ltmp0:
0x3: {  	s6 =	rddreg [dreg:$0x2];
	(pc) =	sbr.rel @p0 .LBB2_2-.Ltmp0, $4  }
0x4: {  	s5 =	rddreg [dreg:$0x3]  }
0x5: {  	s1 =	rddreg [dreg:$0x4];
	s2 =	simm.s32 $0x0  }
0x6: {  	[smem:$0x7FF] =	sst s2  }
0x7: {  	s0 =	rddreg [dreg:$0x5];
	_ =	strace $0x80000047  }
0x8: {  	s7 =	simm.s32 $0xC80  }
0x9: {  	[tilespmem:s7], [sflag:$0x2] =	stream.linear.gather [hbm4b:s6+s2], $0x100, $0x38;
	[tilespmem:$0xE80] =	vst v63  }
0xa: {  	s14 =	simm.s32 $0xD80  }
0xb: {  	[tilespmem:s14], [sflag:$0x3] =	stream.linear.gather [hbm4b:s5+s2], $0x2, $0x38;
	[tilespmem:$0xE80] =	vst v63  }
0xc: {  	s15 =	simm.s32 $0x4  }
0xd: {  	[tilespmem:s2], [sflag:$0x4] =	stream.linear.gather [hbm4b:s3+s2], $0x1, $0x38;
	[tilespmem:$0xE80] =	vst v63  }
0xe: {  	_ =	swait.ge [sflag:s15], $0x1  }
0xf: {  	[sflag:s15] =	ssyncset.done $0x0  }
0x10: {  	[sflag:s15] =	ssyncadd.s32 $0xFFFFFFFF  }
0x11: {  	v0 =	vld [tilespmem:$0x0];
	_ =	sdelay $0x3  }
0x12: {  	vm0 =	vmmov $0x1  }
0x13: {  	v0 =	vnsel vm0, $0x0, v0  }
0x14: {  	(xrf0) =	vadd.scan.msk.s32 $0xffff, v0;
	_ =	sdelay $0x5  }
0x15: {  	v0, _, _ =	vpop (xrf0)  }
0x16: {  	(v2sf) =	vpush v0, $0xF;
	_ =	sdelay $0xe  }
0x17: {  	s16 =	spop (v2sf)  }
0x18: {  	s18 =	simm.s32 $0x400;
	s17 =	sand.u32 $0xFFFFF80, s16  }
0x19: {  	s19 =	simm.s32 $0x7A1400;
	s8 =	simm.s32 $0x80;
	s4 =	sadd.s32 s4, s17  }
0x1a: {  	[tilespmem:s8], [sflag:$0x1] =	stream.strided.gather [hbm4b:s4+s18], $0x800, s19, s18, $0x38;
	[tilespmem:$0xE80] =	vst v63  }
0x1b: {  	s20 =	simm.s32 $0x880;
	s21 =	simm.s32 $0x2;
	s4 =	sadd.s32 $0x1E8500, s4  }
0x1c: {  	[tilespmem:s20], [sflag:$0x1] =	stream.linear.gather [hbm4b:s4+s2], $0x200, $0x38;
	[tilespmem:$0xE80] =	vst v63  }
0x1d: {  	_ =	swait.ge [sflag:s21], $0x100  }
0x1e: {  	v39 =	vlaneseq.u32;
	[sflag:s21] =	ssyncset.done $0x0  }
0x1f: {  	s22 =	simm.s32 $0x3;
	v0 =	vmul.u32 $0x80, v39;
	[sflag:s21] =	ssyncadd.s32 $0xFFFFFF00  }
0x20: {  	s5 =	sand.u32 $0x7F, s16;
	_ =	swait.ge [sflag:s22], $0x2  }
0x21: {  	v1 =	vor.u32 s5, v0;
	v0 =	vadd.s32 $0x200, v0;
	[sflag:s22] =	ssyncset.done $0x0  }
0x22: {  	s23 =	simm.s32 $0x1;
	v0 =	vor.u32 s5, v0;
	[sflag:s22] =	ssyncadd.s32 $0xFFFFFFFE  }
0x23: {  	_ =	swait.ge [sflag:s23], $0xA00  }
0x24: {  	[sflag:s23] =	ssyncset.done $0x0  }
0x25: {  	[sflag:s23] =	ssyncadd.s32 $0xFFFFF600  }
0x26: {  	v1 =	vld.idx.msk [tilespmem:v1+s8+$0x0], $0xffff  }
0x27: {  	v0 =	vld.idx.msk [tilespmem:v0+s8+$0x0], $0xffff  }
0x28: {  	v2 =	vld [tilespmem:$0xC80]  }
0x29: {  	v3 =	vld [tilespmem:$0xC84]  }
0x2a: {  	v4 =	vld [tilespmem:$0xD00]  }
0x2b: {  	v6 =	vld [tilespmem:$0xD04]  }
0x2c: {  	v41 =	vld [tilespmem:$0xD80];
	_ =	sdelay $0x2  }
0x2d: {  	vm12 =	vcmask $0x308;
	v5 =	vshrl.u32 v1, $0x10;
	v7 =	vshrl.u32 v0, $0x10  }
0x2e: {  	v8 =	vshrl.u32 v2, $0x10;
	v43 =	vshrl.u32 v3, $0x10;
	v45 =	vshrl.u32 v4, $0x10  }
0x2f: {  	v47 =	vshrl.u32 v6, $0x10;
	v49 =	vnsel vm0, $0x0, v41;
	v5 =	vand.u32 $0x1, v5  }
0x30: {  	v40 =	vand.u32 $0x1, v7;
	v42 =	vand.u32 $0x1, v8;
	v44 =	vand.u32 $0x1, v43  }
0x31: {  	v46 =	vand.u32 $0x1, v45;
	v48 =	vand.u32 $0x1, v47;
	v7 =	vsel vm12, $0x0, v41  }
0x32: {  	v1 =	vadd.s32 v5, v1;
	v0 =	vadd.s32 v40, v0;
	v2 =	vadd.s32 v42, v2  }
0x33: {  	v3 =	vadd.s32 v44, v3;
	v4 =	vadd.s32 v46, v4;
	v5 =	vadd.s32 v48, v6  }
0x34: {  	v1 =	vadd.s32 $0x7FFF, v1;
	v0 =	vadd.s32 $0x7FFF, v0;
	v2 =	vadd.s32 $0x7FFF, v2  }
0x35: {  	v3 =	vadd.s32 $0x7FFF, v3;
	v4 =	vadd.s32 $0x7FFF, v4;
	v1 =	vand.u32 $0xFFFF0000, v1  }
0x36: {  	v0 =	vand.u32 $0xFFFF0000, v0;
	v2 =	vand.u32 $0xFFFF0000, v2;
	v3 =	vand.u32 $0xFFFF0000, v3  }
0x37: {  	(xrf2) =	vadd.scan.msk.f32 $0xffff, v49;
	v5 =	vadd.s32 $0x7FFF, v5;
	v2 =	vmul.f32 v2, v1;
	v3 =	vmul.f32 v3, v0  }
0x38: {  	vm13 =	vmmov $0xfff;
	(xrf2) =	vadd.scan.msk.f32 $0xffff, v7;
	v4 =	vand.u32 $0xFFFF0000, v4;
	v5 =	vand.u32 $0xFFFF0000, v5  }
0x39: {  	v1 =	vmul.f32 v4, v1;
	v0 =	vmul.f32 v5, v0;
	(xrf2) =	vadd.scan.msk.f32 $0xffff, v2;
	v50 =	vsel vm13, $0x0, v3  }
0x3a: {  	(xrf2) =	vadd.scan.msk.f32 $0xffff, v50  }
0x3b: {  	v0 =	vsel vm13, $0x0, v0;
	(xrf2) =	vadd.scan.msk.f32 $0xffff, v1  }
0x3c: {  	(xrf2) =	vadd.scan.msk.f32 $0xffff, v0;
	_ =	sdelay $0x4  }
0x3d: {  	v51, _, _ =	vpop (xrf2)  }
0x3e: {  	v52, _, _ =	vpop (xrf2);
	(v2sf) =	vpush v51, $0xF  }
0x3f: {  	(v2sf) =	vpush v52, $0xF;
	v53, _, _ =	vpop (xrf2)  }
0x40: {  	v54, _, _ =	vpop (xrf2);
	(v2sf) =	vpush v53, $0xF  }
0x41: {  	v55, _, _ =	vpop (xrf2);
	(v2sf) =	vpush v54, $0xF  }
0x42: {  	(v2sf) =	vpush v55, $0xF;
	v56, _, _ =	vpop (xrf2)  }
0x43: {  	(v2sf) =	vpush v56, $0xF;
	_ =	sdelay $0x9  }
0x44: {  	s24 =	spop (v2sf)  }
0x45: {  	s25 =	spop (v2sf)  }
0x46: {  	s26 =	spop (v2sf)  }
0x47: {  	s28 =	spop (v2sf)  }
0x48: {  	s29 =	spop (v2sf)  }
0x49: {  	s6 =	sadd.f32 s28, s26;
	s30 =	spop (v2sf)  }
0x4a: {  	s7 =	sadd.f32 s30, s29  }
0x4b: {  	s4 =	sadd.f32 s6, s24  }
0x4c: {  	s5 =	sadd.f32 s7, s25;
	_ =	sdelay $0x1  }
0x4d: {  	s6 =	smax.f32 s4, s5  }
0x4e: {  	s4 =	ssub.f32 s4, s6;
	_ =	sdelay $0x1  }
0x4f: {  	vm14 =	vcmask $0x300;
	s5 =	ssub.f32 s5, s6;
	v57 =	vmov s4  }
0x50: {  	vm15 =	vcmask $0x704;
	v0 =	vnsel vm14, $0xC1F00000, v57  }
0x51: {  	v0 =	vsel vm15, s5, v0  }
0x52: {  	v58 =	vmax.f32 v0, $-3.000000000e+01  }
0x53: {  	v1 =	vmul.f32 $1.442695020e+00, v58;
	_ =	sdelay $0x1  }
0x54: {  	v59 =	vtrunc.f32 v1  }
0x55: {  	v2 =	vcvt.f32.s32 v59;
	_ =	sdelay $0x1  }
0x56: {  	v60 =	vcvt.s32.f32 v2;
	_ =	sdelay $0x1  }
0x57: {  	v1 =	vsub.f32 v1, v60;
	_ =	sdelay $0x1  }
0x58: {  	v1 =	vmul.f32 $6.931471820e-01, v1;
	_ =	sdelay $0x1  }
0x59: {  	v61 =	vmul.f32 $1.984127010e-04, v1;
	_ =	sdelay $0x1  }
0x5a: {  	v3 =	vadd.f32 $1.388888920e-03, v61;
	_ =	sdelay $0x1  }
0x5b: {  	v3 =	vmul.f32 v3, v1;
	_ =	sdelay $0x1  }
0x5c: {  	v3 =	vadd.f32 $8.333333770e-03, v3;
	_ =	sdelay $0x1  }
0x5d: {  	v3 =	vmul.f32 v3, v1;
	_ =	sdelay $0x1  }
0x5e: {  	v3 =	vadd.f32 $4.166666790e-02, v3;
	_ =	sdelay $0x1  }
0x5f: {  	v3 =	vmul.f32 v3, v1;
	_ =	sdelay $0x1  }
0x60: {  	v3 =	vadd.f32 $1.666666720e-01, v3;
	_ =	sdelay $0x1  }
0x61: {  	v3 =	vmul.f32 v3, v1;
	_ =	sdelay $0x1  }
0x62: {  	v3 =	vadd.f32 $5.000000000e-01, v3;
	_ =	sdelay $0x1  }
0x63: {  	v3 =	vmul.f32 v3, v1;
	_ =	sdelay $0x1  }
0x64: {  	v3 =	vadd.f32 $1.000000000e+00, v3;
	_ =	sdelay $0x1  }
0x65: {  	v1 =	vmul.f32 v3, v1;
	_ =	sdelay $0x1  }
0x66: {  	v2 =	vshll.u32 v2, $0x17;
	v1 =	vadd.f32 $1.000000000e+00, v1  }
0x67: {  	v2 =	vadd.s32 $0x3F800000, v2  }
0x68: {  	v1 =	vmul.f32 v2, v1;
	_ =	sdelay $0x1  }
0x69: {  	(xrf2) =	vadd.scan.msk.f32 $0xffff, v1;
	_ =	sdelay $0x9  }
0x6a: {  	v1, _, _ =	vpop (xrf2)  }
0x6b: {  	v1 =	vbroadcast v1, $0xF;
	_ =	sdelay $0x1  }
0x6c: {  	v62 =	vadd.f32 $1.000000000e+00, v1;
	_ =	sdelay $0x1  }
0x6d: {  	(erf) = vrcp.f32 v62;
	_ =	sdelay $0x7  }
0x6e: {  	v1 =	vadd.f32 $-1.000000000e+00, v1  }
0x6f: {  	v2 =	vpop (erf)  }
0x70: {  	v1 =	vmul.f32 v2, v1;
	_ =	sdelay $0x1  }
0x71: {  	v2 =	vmul.f32 v1, v1;
	_ =	sdelay $0x1  }
0x72: {  	v63 =	vmul.f32 $1.111111120e-01, v2;
	_ =	sdelay $0x1  }
0x73: {  	v3 =	vadd.f32 $1.428571490e-01, v63;
	_ =	sdelay $0x1  }
0x74: {  	v3 =	vmul.f32 v3, v2;
	_ =	sdelay $0x1  }
0x75: {  	v3 =	vadd.f32 $2.000000030e-01, v3;
	_ =	sdelay $0x1  }
0x76: {  	v3 =	vmul.f32 v3, v2;
	_ =	sdelay $0x1  }
0x77: {  	v3 =	vadd.f32 $3.333333430e-01, v3;
	_ =	sdelay $0x1  }
0x78: {  	v2 =	vmul.f32 v3, v2;
	_ =	sdelay $0x1  }
0x79: {  	v1 =	vadd.f32 v1, v1;
	v2 =	vadd.f32 $1.000000000e+00, v2;
	_ =	sdelay $0x1  }
0x7a: {  	v1 =	vmul.f32 v2, v1;
	_ =	sdelay $0x1  }
0x7b: {  	v0 =	vsub.f32 v0, v1;
	_ =	sdelay $0x1  }
0x7c: {  	s31 =	simm.s32 $0xE00;
	[tilespmem:$0xE00] =	vst v0  }
0x7d: {  	[hbm4b:s1+s2] =	stream.linear.scatter [tilespmem:s31], [sflag:$0x4], $0x2, $0x38;
	[tilespmem:$0xE80] =	vst v63  }
0x7e: {  	_ =	swait.ge [sflag:s15], $0x2  }
0x7f: {  	[sflag:s15] =	ssyncset.done $0x0  }
0x80: {  	[sflag:s15] =	ssyncadd.s32 $0xFFFFFFFE  }
.LBB2_2:
0x81: {  	_ =	sfence.sel $0x180000  }
0x82: {  	[bflag:$0x0] =	sbarrier.arrive $0xFFFF  }
0x83: {  	_ =	strace $0x90000047  }
0x84: {  	s0 =	sadd.s32 @!p0 $0x100000, s0;
	[bflag:$0x2] =	sbarrier.arrive $0xFFFF  }
0x85: {  	[sflag:s0] =	ssyncadd.tile.s32 @!p0 $0x1;
	_ =	shalt  }
.Lfunc_end2:
_tile_overlayer_lowered:
.L_overlay_start_2:
0x86: {  	(tag) =	ssettag $0x2  }
0x87: {  	s0 =	rddreg [dreg:$0x0];
	s2 =	stileid.u32  }
0x88: {  	s1 =	rddreg [dreg:$0x1];
	p0 =	sne.s32 s2, $0x0  }
0x89: {  	s3 =	rddreg [dreg:$0x2];
	[bflag:$0x3] =	sbarrier.arrive $0xFFFF;
	s2 =	simm.s32 @!p0 $0x1C04  }
0x8a: {  	[timem:s3], [sflag:s2] =	dma.local @!p0 [hbm:s0], s1  }
0x8b: {  	s0 =	simm.s32 @!p0 $0x4  }
0x8c: {  	_ =	swait.ge @!p0 [sflag:s0], s1  }
0x8d: {  	s1 =	ssub.s32 @!p0 $0x0, s1;
	[sflag:s0] =	ssyncset.done @!p0 $0x0  }
0x8e: {  	[sflag:s0] =	ssyncadd.s32 @!p0 s1  }
0x8f: {  	[bflag:$0x3] =	sbarrier.arrive $0xFFFF  }
0x90: {  	_ =	shalt  }

</sc_bundles>
